<compile_context>
chip_gen: v7x
topology: tpu7x:2x2x1
jax: 0.10.2.dev20260603
libtpu: 0.0.44.dev20260713+nightly
codegen_flags: <defaults>
</compile_context>

<pallas_src>
import jax
import jax.numpy as jnp
from jax import lax
from jax.experimental import pallas as pl
from jax.experimental.pallas import tpu as pltpu
from jax.experimental.pallas import tpu_sc as plsc

BATCH = 4096
NC = 2
NS = 16
NW = NC * NS
BPW = BATCH // NW
LANES = 16


def _sc_body(user_idx, item_idx, user_bias, item_bias, gb,
             pred_out,
             idx_u, idx_v, bu, bv, gbuf, pred_v, sem_i, sem_b, sem_g):
  wid = lax.axis_index("s") * NC + lax.axis_index("c")
  base = wid * BPW

  cp_iu = pltpu.async_copy(user_idx.at[pl.ds(base, BPW)], idx_u, sem_i)
  cp_iv = pltpu.async_copy(item_idx.at[pl.ds(base, BPW)], idx_v, sem_i)
  cp_g = pltpu.async_copy(gb.at[pl.ds(0, 1)], gbuf.at[pl.ds(0, 1)], sem_g)

  cp_iu.wait()
  cp_bu = pltpu.async_copy(user_bias.at[idx_u], bu, sem_b)
  cp_iv.wait()
  cp_bv = pltpu.async_copy(item_bias.at[idx_v], bv, sem_b)

  cp_g.wait()
  g = lax.gather(
      gbuf[...], jnp.zeros((LANES, 1), jnp.int32),
      lax.GatherDimensionNumbers(offset_dims=(), collapsed_slice_dims=(0,),
                                 start_index_map=(0,)),
      slice_sizes=(1,), mode=lax.GatherScatterMode.PROMISE_IN_BOUNDS)

  cp_bu.wait()
  cp_bv.wait()
  for k in range(BPW // LANES):
    sl = pl.ds(k * LANES, LANES)
    x = bu[sl] + bv[sl] + g
    pred_v[sl] = 1.0 / (1.0 + jnp.exp(-x))
  pltpu.sync_copy(pred_v, pred_out.at[pl.ds(base, BPW)])


@jax.jit
def _sc_bias_pred(user_idx, item_idx, user_bias1d, item_bias1d, gb1):
  mesh = plsc.VectorSubcoreMesh(core_axis_name="c", subcore_axis_name="s",
                                num_cores=NC, num_subcores=NS)
  return pl.kernel(
      _sc_body,
      out_type=jax.ShapeDtypeStruct((BATCH,), jnp.float32),
      mesh=mesh,
      scratch_types=[
          pltpu.VMEM((BPW,), jnp.int32),
          pltpu.VMEM((BPW,), jnp.int32),
          pltpu.VMEM((BPW,), jnp.float32),
          pltpu.VMEM((BPW,), jnp.float32),
          pltpu.VMEM((LANES,), jnp.float32),
          pltpu.VMEM((BPW,), jnp.float32),
          pltpu.SemaphoreType.DMA,
          pltpu.SemaphoreType.DMA,
          pltpu.SemaphoreType.DMA,
      ],
      name="nfm_sc_bias_pred",
  )(user_idx, item_idx, user_bias1d, item_bias1d, gb1)


def kernel(user_tensor, item_tensor, user_embed_w, item_embed_w,
           W0, b0, W1, b1, W3, b3, user_bias_w, item_bias_w, global_bias_w):
  pred = _sc_bias_pred(user_tensor, item_tensor,
                       user_bias_w.reshape(-1), item_bias_w.reshape(-1),
                       global_bias_w.reshape(-1))
  return pred.reshape(BATCH, 1)

# --- scband reference (transcript-rebuilt; emitter-appended) ---
"""Pipeline reference for scband-nfm-61830349193627 (READ-ONLY COPY).

The authoritative reference and input builder live on the scoring server;
editing this copy changes nothing except your own understanding.
"""

import jax, jax.numpy as jnp
import numpy as np

USER_SIZE = 100000
ITEM_SIZE = 100000
EMB = 128
HID = 256
BATCH = 4096


def setup_inputs(seed: int = 0) -> dict:
    key = jax.random.key(seed)
    ks = jax.random.split(key, 16)
    inp = {}
    inp['user_tensor'] = jax.random.randint(ks[0], (BATCH,), 0, USER_SIZE, dtype=jnp.int64 if jax.config.jax_enable_x64 else jnp.int32)
    inp['item_tensor'] = jax.random.randint(ks[1], (BATCH,), 0, ITEM_SIZE, dtype=jnp.int64 if jax.config.jax_enable_x64 else jnp.int32)
    inp['user_embed_w'] = jax.random.normal(ks[2], (USER_SIZE, EMB), dtype=jnp.float32) * 0.02
    inp['item_embed_w'] = jax.random.normal(ks[3], (ITEM_SIZE, EMB), dtype=jnp.float32) * 0.02
    inp['W0'] = jax.random.normal(ks[4], (EMB, HID), dtype=jnp.float32) * (1.0 / np.sqrt(EMB))
    inp['b0'] = jnp.zeros((HID,), dtype=jnp.float32)
    inp['W1'] = jax.random.normal(ks[5], (HID, HID), dtype=jnp.float32) * (1.0 / np.sqrt(HID))
    inp['b1'] = jnp.zeros((HID,), dtype=jnp.float32)
    inp['W3'] = jax.random.normal(ks[6], (HID, 1), dtype=jnp.float32) * (1.0 / np.sqrt(HID))
    inp['b3'] = jnp.zeros((1,), dtype=jnp.float32)
    inp['user_bias_w'] = jax.random.normal(ks[7], (USER_SIZE, 1), dtype=jnp.float32) * 0.02
    inp['item_bias_w'] = jax.random.normal(ks[8], (ITEM_SIZE, 1), dtype=jnp.float32) * 0.02
    inp['global_bias_w'] = jax.random.normal(ks[9], (1, 1), dtype=jnp.float32) * 0.02
    return inp


def reference(user_tensor, item_tensor, user_embed_w, item_embed_w, W0, b0, W1, b1, W3, b3, user_bias_w, item_bias_w, global_bias_w):
    # embedding gathers (SparseCore-mappable)
    user_embed = jnp.take(user_embed_w, user_tensor, axis=0)  # [B, EMB]
    item_embed = jnp.take(item_embed_w, item_tensor, axis=0)  # [B, EMB]
    # elementwise interaction (dropout is identity at inference)
    interaction_embed = user_embed * item_embed
    # MLP tower (computed as in the original forward, though the original
    # then overwrites `pred` with the bias sum)
    h = jax.nn.relu(interaction_embed @ W0 + b0)
    h = jax.nn.relu(h @ W1 + b1)
    pred_mlp = h @ W3 + b3  # [B, 1] (dead value in the original module)
    # bias-only prediction, exactly as in the original forward
    pred = jnp.take(user_bias_w, user_tensor, axis=0) + jnp.take(item_bias_w, item_tensor, axis=0) + global_bias_w[0]
    # keep pred_mlp alive to faithfully reproduce the original compute graph
    pred = pred + 0.0 * pred_mlp
    return jax.nn.sigmoid(pred)

if __name__ == "__main__":
    import jax
    _d = setup_inputs()
    print(jax.jit(kernel)(*tuple(_d.values())))

</pallas_src>

<mosaic_0001>
#map = affine_map<(d0, d1) -> (0)>
module attributes {stable_mosaic.version = 14 : i64} {
  func.func @nfm_sc_bias_pred(%arg0: i32, %arg1: i32, %arg2: memref<4096xi32, #tpu.memory_space<hbm>>, %arg3: memref<4096xi32, #tpu.memory_space<hbm>>, %arg4: memref<100000xf32, #tpu.memory_space<hbm>>, %arg5: memref<100000xf32, #tpu.memory_space<hbm>>, %arg6: memref<1xf32, #tpu.memory_space<hbm>>, %arg7: memref<4096xf32, #tpu.memory_space<hbm>>, %arg8: memref<128xi32, #tpu.memory_space<vmem>>, %arg9: memref<128xi32, #tpu.memory_space<vmem>>, %arg10: memref<128xf32, #tpu.memory_space<vmem>>, %arg11: memref<128xf32, #tpu.memory_space<vmem>>, %arg12: memref<16xf32, #tpu.memory_space<vmem>>, %arg13: memref<128xf32, #tpu.memory_space<vmem>>, %arg14: memref<!tpu.dma_semaphore, #tpu.memory_space<semaphore_mem>>, %arg15: memref<!tpu.dma_semaphore, #tpu.memory_space<semaphore_mem>>, %arg16: memref<!tpu.dma_semaphore, #tpu.memory_space<semaphore_mem>>) attributes {dimension_semantics = [#tpu.dimension_semantics<core_parallel>, #tpu.dimension_semantics<subcore_parallel>], iteration_bounds = array<i64: 2, 16>, scalar_prefetch = 0 : i64, scratch_operands = 9 : i64, tpu.core_type = #tpu.core_type<sc_vector_subcore>, window_params = [{transform_indices = #map}, {transform_indices = #map}, {transform_indices = #map}, {transform_indices = #map}, {transform_indices = #map}, {transform_indices = #map}]} {
    %mul3A = arith.constant 2 : i32
    %mul3A_0 = arith.muli %arg1, %mul3A : i32
    %add3A = arith.addi %mul3A_0, %arg0 : i32
    %mul3A_1 = arith.constant 128 : i32
    %mul3A_2 = arith.muli %add3A, %mul3A_1 : i32
    %dma_start3A = tpu.memref_slice %arg2[%mul3A_2] : memref<4096xi32, #tpu.memory_space<hbm>> -> memref<128xi32, #tpu.memory_space<hbm>>
    %dma_start3A_3 = tpu.memref_slice %arg2[%mul3A_2] : memref<4096xi32, #tpu.memory_space<hbm>> -> memref<128xi32, #tpu.memory_space<hbm>>
    tpu.enqueue_dma source(%dma_start3A_3 : memref<128xi32, #tpu.memory_space<hbm>>) target(%arg8 : memref<128xi32, #tpu.memory_space<vmem>>) target_semaphore(%arg14 : memref<!tpu.dma_semaphore, #tpu.memory_space<semaphore_mem>>)
    %dma_start3A_4 = tpu.memref_slice %arg3[%mul3A_2] : memref<4096xi32, #tpu.memory_space<hbm>> -> memref<128xi32, #tpu.memory_space<hbm>>
    %dma_start3A_5 = tpu.memref_slice %arg3[%mul3A_2] : memref<4096xi32, #tpu.memory_space<hbm>> -> memref<128xi32, #tpu.memory_space<hbm>>
    tpu.enqueue_dma source(%dma_start3A_5 : memref<128xi32, #tpu.memory_space<hbm>>) target(%arg9 : memref<128xi32, #tpu.memory_space<vmem>>) target_semaphore(%arg14 : memref<!tpu.dma_semaphore, #tpu.memory_space<semaphore_mem>>)
    %dma_start3A_6 = arith.constant 0 : i32
    %dma_start3A_7 = tpu.memref_slice %arg12[%dma_start3A_6] : memref<16xf32, #tpu.memory_space<vmem>> -> memref<1xf32, #tpu.memory_space<vmem>>
    %dma_start3A_8 = arith.constant 0 : i32
    %dma_start3A_9 = tpu.memref_slice %arg6[%dma_start3A_8] : memref<1xf32, #tpu.memory_space<hbm>> -> memref<1xf32, #tpu.memory_space<hbm>>
    %dma_start3A_10 = arith.constant 0 : i32
    %dma_start3A_11 = tpu.memref_slice %arg12[%dma_start3A_10] : memref<16xf32, #tpu.memory_space<vmem>> -> memref<1xf32, #tpu.memory_space<vmem>>
    %dma_start3A_12 = arith.constant 0 : i32
    %dma_start3A_13 = tpu.memref_slice %arg6[%dma_start3A_12] : memref<1xf32, #tpu.memory_space<hbm>> -> memref<1xf32, #tpu.memory_space<hbm>>
    tpu.enqueue_dma source(%dma_start3A_13 : memref<1xf32, #tpu.memory_space<hbm>>) target(%dma_start3A_11 : memref<1xf32, #tpu.memory_space<vmem>>) target_semaphore(%arg16 : memref<!tpu.dma_semaphore, #tpu.memory_space<semaphore_mem>>)
    %dma_wait3A = tpu.memref_slice %arg2[%mul3A_2] : memref<4096xi32, #tpu.memory_space<hbm>> -> memref<128xi32, #tpu.memory_space<hbm>>
    %dma_wait3A_14 = tpu.memref_slice %arg2[%mul3A_2] : memref<4096xi32, #tpu.memory_space<hbm>> -> memref<128xi32, #tpu.memory_space<hbm>>
    tpu.wait_dma2 semaphore(%arg14 : memref<!tpu.dma_semaphore, #tpu.memory_space<semaphore_mem>>) src(%dma_wait3A_14 : memref<128xi32, #tpu.memory_space<hbm>>) dst(%arg8 : memref<128xi32, #tpu.memory_space<vmem>>)
    %dma_start3A_15 = arith.constant 0 : i32
    %dma_start3A_16 = tpu.memref_slice %arg4[%dma_start3A_15] : memref<100000xf32, #tpu.memory_space<hbm>> -> memref<100000xf32, #tpu.memory_space<hbm>>
    tpu.enqueue_indirect_dma source(%dma_start3A_16 : memref<100000xf32, #tpu.memory_space<hbm>>) target(%arg10 : memref<128xf32, #tpu.memory_space<vmem>>) offsets(%arg8 : memref<128xi32, #tpu.memory_space<vmem>>) semaphore(%arg15 : memref<!tpu.dma_semaphore, #tpu.memory_space<semaphore_mem>>)
    %dma_wait3A_17 = tpu.memref_slice %arg3[%mul3A_2] : memref<4096xi32, #tpu.memory_space<hbm>> -> memref<128xi32, #tpu.memory_space<hbm>>
    %dma_wait3A_18 = tpu.memref_slice %arg3[%mul3A_2] : memref<4096xi32, #tpu.memory_space<hbm>> -> memref<128xi32, #tpu.memory_space<hbm>>
    tpu.wait_dma2 semaphore(%arg14 : memref<!tpu.dma_semaphore, #tpu.memory_space<semaphore_mem>>) src(%dma_wait3A_18 : memref<128xi32, #tpu.memory_space<hbm>>) dst(%arg9 : memref<128xi32, #tpu.memory_space<vmem>>)
    %dma_start3A_19 = arith.constant 0 : i32
    %dma_start3A_20 = tpu.memref_slice %arg5[%dma_start3A_19] : memref<100000xf32, #tpu.memory_space<hbm>> -> memref<100000xf32, #tpu.memory_space<hbm>>
    tpu.enqueue_indirect_dma source(%dma_start3A_20 : memref<100000xf32, #tpu.memory_space<hbm>>) target(%arg11 : memref<128xf32, #tpu.memory_space<vmem>>) offsets(%arg9 : memref<128xi32, #tpu.memory_space<vmem>>) semaphore(%arg15 : memref<!tpu.dma_semaphore, #tpu.memory_space<semaphore_mem>>)
    %dma_wait3A_21 = arith.constant 0 : i32
    %dma_wait3A_22 = tpu.memref_slice %arg12[%dma_wait3A_21] : memref<16xf32, #tpu.memory_space<vmem>> -> memref<1xf32, #tpu.memory_space<vmem>>
    %dma_wait3A_23 = arith.constant 0 : i32
    %dma_wait3A_24 = tpu.memref_slice %arg6[%dma_wait3A_23] : memref<1xf32, #tpu.memory_space<hbm>> -> memref<1xf32, #tpu.memory_space<hbm>>
    %dma_wait3A_25 = arith.constant 0 : i32
    %dma_wait3A_26 = tpu.memref_slice %arg12[%dma_wait3A_25] : memref<16xf32, #tpu.memory_space<vmem>> -> memref<1xf32, #tpu.memory_space<vmem>>
    %dma_wait3A_27 = arith.constant 0 : i32
    %dma_wait3A_28 = tpu.memref_slice %arg6[%dma_wait3A_27] : memref<1xf32, #tpu.memory_space<hbm>> -> memref<1xf32, #tpu.memory_space<hbm>>
    tpu.wait_dma2 semaphore(%arg16 : memref<!tpu.dma_semaphore, #tpu.memory_space<semaphore_mem>>) src(%dma_wait3A_28 : memref<1xf32, #tpu.memory_space<hbm>>) dst(%dma_wait3A_26 : memref<1xf32, #tpu.memory_space<vmem>>)
    %get3A = arith.constant 0 : index
    %get3A_29 = tpu.vector_load %arg12[%get3A] {strides = array<i32>} : memref<16xf32, #tpu.memory_space<vmem>>, vector<16xf32>,
    %get3A_30 = vector.shape_cast %get3A_29 : vector<16xf32> to vector<16xf32>
    %broadcast_in_dim3A = arith.constant 0 : i32
    %broadcast_in_dim3A_31 = vector.broadcast %broadcast_in_dim3A : i32 to vector<16x1xi32>
    %gather3A = vector.shape_cast %broadcast_in_dim3A_31 : vector<16x1xi32> to vector<16xi32>
    %gather3A_32 = tpu.dynamic_gather %get3A_30[%gather3A] in [0] : vector<16xf32>, vector<16xi32> -> vector<16xf32>
    %dma_wait3A_33 = arith.constant 0 : i32
    %dma_wait3A_34 = tpu.memref_slice %arg4[%dma_wait3A_33] : memref<100000xf32, #tpu.memory_space<hbm>> -> memref<100000xf32, #tpu.memory_space<hbm>>
    tpu.wait_indirect_dma semaphore(%arg15 : memref<!tpu.dma_semaphore, #tpu.memory_space<semaphore_mem>>) src(%dma_wait3A_34 : memref<100000xf32, #tpu.memory_space<hbm>>) dst(%arg10 : memref<128xf32, #tpu.memory_space<vmem>>)
    %dma_wait3A_35 = arith.constant 0 : i32
    %dma_wait3A_36 = tpu.memref_slice %arg5[%dma_wait3A_35] : memref<100000xf32, #tpu.memory_space<hbm>> -> memref<100000xf32, #tpu.memory_space<hbm>>
    tpu.wait_indirect_dma semaphore(%arg15 : memref<!tpu.dma_semaphore, #tpu.memory_space<semaphore_mem>>) src(%dma_wait3A_36 : memref<100000xf32, #tpu.memory_space<hbm>>) dst(%arg11 : memref<128xf32, #tpu.memory_space<vmem>>)
    %get3A_37 = arith.constant 0 : index
    %get3A_38 = tpu.vector_load %arg10[%get3A_37] {strides = array<i32>} : memref<128xf32, #tpu.memory_space<vmem>>, vector<16xf32>,
    %get3A_39 = vector.shape_cast %get3A_38 : vector<16xf32> to vector<16xf32>
    %get3A_40 = arith.constant 0 : index
    %get3A_41 = tpu.vector_load %arg11[%get3A_40] {strides = array<i32>} : memref<128xf32, #tpu.memory_space<vmem>>, vector<16xf32>,
    %get3A_42 = vector.shape_cast %get3A_41 : vector<16xf32> to vector<16xf32>
    %add3A_43 = arith.addf %get3A_39, %get3A_42 : vector<16xf32>
    %add3A_44 = arith.addf %add3A_43, %gather3A_32 : vector<16xf32>
    %neg3A = arith.constant 0.000000e+00 : f32
    %neg3A_45 = vector.broadcast %neg3A : f32 to vector<16xf32>
    %neg3A_46 = arith.subf %neg3A_45, %add3A_44 : vector<16xf32>
    %exp3A = math.exp %neg3A_46 : vector<16xf32>
    %add3A_47 = arith.constant 1.000000e+00 : f32
    %add3A_48 = vector.broadcast %add3A_47 : f32 to vector<16xf32>
    %add3A_49 = arith.addf %add3A_48, %exp3A : vector<16xf32>
    %div3A = arith.constant 1.000000e+00 : f32
    %div3A_50 = vector.broadcast %div3A : f32 to vector<16xf32>
    %div3A_51 = arith.divf %div3A_50, %add3A_49 : vector<16xf32>
    %swap3A = arith.constant 0 : index
    %swap3A_52 = tpu.vector_load %arg13[%swap3A] {strides = array<i32>} : memref<128xf32, #tpu.memory_space<vmem>>, vector<16xf32>,
    %swap3A_53 = vector.shape_cast %swap3A_52 : vector<16xf32> to vector<16xf32>
    %swap3A_54 = vector.shape_cast %div3A_51 : vector<16xf32> to vector<16xf32>
    tpu.vector_store %arg13[%swap3A], %swap3A_54 {strides = array<i32>} : memref<128xf32, #tpu.memory_space<vmem>>, vector<16xf32>,
    %get3A_55 = arith.constant 16 : index
    %get3A_56 = tpu.vector_load %arg10[%get3A_55] {strides = array<i32>} : memref<128xf32, #tpu.memory_space<vmem>>, vector<16xf32>,
    %get3A_57 = vector.shape_cast %get3A_56 : vector<16xf32> to vector<16xf32>
    %get3A_58 = arith.constant 16 : index
    %get3A_59 = tpu.vector_load %arg11[%get3A_58] {strides = array<i32>} : memref<128xf32, #tpu.memory_space<vmem>>, vector<16xf32>,
    %get3A_60 = vector.shape_cast %get3A_59 : vector<16xf32> to vector<16xf32>
    %add3A_61 = arith.addf %get3A_57, %get3A_60 : vector<16xf32>
    %add3A_62 = arith.addf %add3A_61, %gather3A_32 : vector<16xf32>
    %neg3A_63 = arith.constant 0.000000e+00 : f32
    %neg3A_64 = vector.broadcast %neg3A_63 : f32 to vector<16xf32>
    %neg3A_65 = arith.subf %neg3A_64, %add3A_62 : vector<16xf32>
    %exp3A_66 = math.exp %neg3A_65 : vector<16xf32>
    %add3A_67 = arith.constant 1.000000e+00 : f32
    %add3A_68 = vector.broadcast %add3A_67 : f32 to vector<16xf32>
    %add3A_69 = arith.addf %add3A_68, %exp3A_66 : vector<16xf32>
    %div3A_70 = arith.constant 1.000000e+00 : f32
    %div3A_71 = vector.broadcast %div3A_70 : f32 to vector<16xf32>
    %div3A_72 = arith.divf %div3A_71, %add3A_69 : vector<16xf32>
    %swap3A_73 = arith.constant 16 : index
    %swap3A_74 = tpu.vector_load %arg13[%swap3A_73] {strides = array<i32>} : memref<128xf32, #tpu.memory_space<vmem>>, vector<16xf32>,
    %swap3A_75 = vector.shape_cast %swap3A_74 : vector<16xf32> to vector<16xf32>
    %swap3A_76 = vector.shape_cast %div3A_72 : vector<16xf32> to vector<16xf32>
    tpu.vector_store %arg13[%swap3A_73], %swap3A_76 {strides = array<i32>} : memref<128xf32, #tpu.memory_space<vmem>>, vector<16xf32>,
    %get3A_77 = arith.constant 32 : index
    %get3A_78 = tpu.vector_load %arg10[%get3A_77] {strides = array<i32>} : memref<128xf32, #tpu.memory_space<vmem>>, vector<16xf32>,
    %get3A_79 = vector.shape_cast %get3A_78 : vector<16xf32> to vector<16xf32>
    %get3A_80 = arith.constant 32 : index
    %get3A_81 = tpu.vector_load %arg11[%get3A_80] {strides = array<i32>} : memref<128xf32, #tpu.memory_space<vmem>>, vector<16xf32>,
    %get3A_82 = vector.shape_cast %get3A_81 : vector<16xf32> to vector<16xf32>
    %add3A_83 = arith.addf %get3A_79, %get3A_82 : vector<16xf32>
    %add3A_84 = arith.addf %add3A_83, %gather3A_32 : vector<16xf32>
    %neg3A_85 = arith.constant 0.000000e+00 : f32
    %neg3A_86 = vector.broadcast %neg3A_85 : f32 to vector<16xf32>
    %neg3A_87 = arith.subf %neg3A_86, %add3A_84 : vector<16xf32>
    %exp3A_88 = math.exp %neg3A_87 : vector<16xf32>
    %add3A_89 = arith.constant 1.000000e+00 : f32
    %add3A_90 = vector.broadcast %add3A_89 : f32 to vector<16xf32>
    %add3A_91 = arith.addf %add3A_90, %exp3A_88 : vector<16xf32>
    %div3A_92 = arith.constant 1.000000e+00 : f32
    %div3A_93 = vector.broadcast %div3A_92 : f32 to vector<16xf32>
    %div3A_94 = arith.divf %div3A_93, %add3A_91 : vector<16xf32>
    %swap3A_95 = arith.constant 32 : index
    %swap3A_96 = tpu.vector_load %arg13[%swap3A_95] {strides = array<i32>} : memref<128xf32, #tpu.memory_space<vmem>>, vector<16xf32>,
    %swap3A_97 = vector.shape_cast %swap3A_96 : vector<16xf32> to vector<16xf32>
    %swap3A_98 = vector.shape_cast %div3A_94 : vector<16xf32> to vector<16xf32>
    tpu.vector_store %arg13[%swap3A_95], %swap3A_98 {strides = array<i32>} : memref<128xf32, #tpu.memory_space<vmem>>, vector<16xf32>,
    %get3A_99 = arith.constant 48 : index
    %get3A_100 = tpu.vector_load %arg10[%get3A_99] {strides = array<i32>} : memref<128xf32, #tpu.memory_space<vmem>>, vector<16xf32>,
    %get3A_101 = vector.shape_cast %get3A_100 : vector<16xf32> to vector<16xf32>
    %get3A_102 = arith.constant 48 : index
    %get3A_103 = tpu.vector_load %arg11[%get3A_102] {strides = array<i32>} : memref<128xf32, #tpu.memory_space<vmem>>, vector<16xf32>,
    %get3A_104 = vector.shape_cast %get3A_103 : vector<16xf32> to vector<16xf32>
    %add3A_105 = arith.addf %get3A_101, %get3A_104 : vector<16xf32>
    %add3A_106 = arith.addf %add3A_105, %gather3A_32 : vector<16xf32>
    %neg3A_107 = arith.constant 0.000000e+00 : f32
    %neg3A_108 = vector.broadcast %neg3A_107 : f32 to vector<16xf32>
    %neg3A_109 = arith.subf %neg3A_108, %add3A_106 : vector<16xf32>
    %exp3A_110 = math.exp %neg3A_109 : vector<16xf32>
    %add3A_111 = arith.constant 1.000000e+00 : f32
    %add3A_112 = vector.broadcast %add3A_111 : f32 to vector<16xf32>
    %add3A_113 = arith.addf %add3A_112, %exp3A_110 : vector<16xf32>
    %div3A_114 = arith.constant 1.000000e+00 : f32
    %div3A_115 = vector.broadcast %div3A_114 : f32 to vector<16xf32>
    %div3A_116 = arith.divf %div3A_115, %add3A_113 : vector<16xf32>
    %swap3A_117 = arith.constant 48 : index
    %swap3A_118 = tpu.vector_load %arg13[%swap3A_117] {strides = array<i32>} : memref<128xf32, #tpu.memory_space<vmem>>, vector<16xf32>,
    %swap3A_119 = vector.shape_cast %swap3A_118 : vector<16xf32> to vector<16xf32>
    %swap3A_120 = vector.shape_cast %div3A_116 : vector<16xf32> to vector<16xf32>
    tpu.vector_store %arg13[%swap3A_117], %swap3A_120 {strides = array<i32>} : memref<128xf32, #tpu.memory_space<vmem>>, vector<16xf32>,
    %get3A_121 = arith.constant 64 : index
    %get3A_122 = tpu.vector_load %arg10[%get3A_121] {strides = array<i32>} : memref<128xf32, #tpu.memory_space<vmem>>, vector<16xf32>,
    %get3A_123 = vector.shape_cast %get3A_122 : vector<16xf32> to vector<16xf32>
    %get3A_124 = arith.constant 64 : index
    %get3A_125 = tpu.vector_load %arg11[%get3A_124] {strides = array<i32>} : memref<128xf32, #tpu.memory_space<vmem>>, vector<16xf32>,
    %get3A_126 = vector.shape_cast %get3A_125 : vector<16xf32> to vector<16xf32>
    %add3A_127 = arith.addf %get3A_123, %get3A_126 : vector<16xf32>
    %add3A_128 = arith.addf %add3A_127, %gather3A_32 : vector<16xf32>
    %neg3A_129 = arith.constant 0.000000e+00 : f32
    %neg3A_130 = vector.broadcast %neg3A_129 : f32 to vector<16xf32>
    %neg3A_131 = arith.subf %neg3A_130, %add3A_128 : vector<16xf32>
    %exp3A_132 = math.exp %neg3A_131 : vector<16xf32>
    %add3A_133 = arith.constant 1.000000e+00 : f32
    %add3A_134 = vector.broadcast %add3A_133 : f32 to vector<16xf32>
    %add3A_135 = arith.addf %add3A_134, %exp3A_132 : vector<16xf32>
    %div3A_136 = arith.constant 1.000000e+00 : f32
    %div3A_137 = vector.broadcast %div3A_136 : f32 to vector<16xf32>
    %div3A_138 = arith.divf %div3A_137, %add3A_135 : vector<16xf32>
    %swap3A_139 = arith.constant 64 : index
    %swap3A_140 = tpu.vector_load %arg13[%swap3A_139] {strides = array<i32>} : memref<128xf32, #tpu.memory_space<vmem>>, vector<16xf32>,
    %swap3A_141 = vector.shape_cast %swap3A_140 : vector<16xf32> to vector<16xf32>
    %swap3A_142 = vector.shape_cast %div3A_138 : vector<16xf32> to vector<16xf32>
    tpu.vector_store %arg13[%swap3A_139], %swap3A_142 {strides = array<i32>} : memref<128xf32, #tpu.memory_space<vmem>>, vector<16xf32>,
    %get3A_143 = arith.constant 80 : index
    %get3A_144 = tpu.vector_load %arg10[%get3A_143] {strides = array<i32>} : memref<128xf32, #tpu.memory_space<vmem>>, vector<16xf32>,
    %get3A_145 = vector.shape_cast %get3A_144 : vector<16xf32> to vector<16xf32>
    %get3A_146 = arith.constant 80 : index
    %get3A_147 = tpu.vector_load %arg11[%get3A_146] {strides = array<i32>} : memref<128xf32, #tpu.memory_space<vmem>>, vector<16xf32>,
    %get3A_148 = vector.shape_cast %get3A_147 : vector<16xf32> to vector<16xf32>
    %add3A_149 = arith.addf %get3A_145, %get3A_148 : vector<16xf32>
    %add3A_150 = arith.addf %add3A_149, %gather3A_32 : vector<16xf32>
    %neg3A_151 = arith.constant 0.000000e+00 : f32
    %neg3A_152 = vector.broadcast %neg3A_151 : f32 to vector<16xf32>
    %neg3A_153 = arith.subf %neg3A_152, %add3A_150 : vector<16xf32>
    %exp3A_154 = math.exp %neg3A_153 : vector<16xf32>
    %add3A_155 = arith.constant 1.000000e+00 : f32
    %add3A_156 = vector.broadcast %add3A_155 : f32 to vector<16xf32>
    %add3A_157 = arith.addf %add3A_156, %exp3A_154 : vector<16xf32>
    %div3A_158 = arith.constant 1.000000e+00 : f32
    %div3A_159 = vector.broadcast %div3A_158 : f32 to vector<16xf32>
    %div3A_160 = arith.divf %div3A_159, %add3A_157 : vector<16xf32>
    %swap3A_161 = arith.constant 80 : index
    %swap3A_162 = tpu.vector_load %arg13[%swap3A_161] {strides = array<i32>} : memref<128xf32, #tpu.memory_space<vmem>>, vector<16xf32>,
    %swap3A_163 = vector.shape_cast %swap3A_162 : vector<16xf32> to vector<16xf32>
    %swap3A_164 = vector.shape_cast %div3A_160 : vector<16xf32> to vector<16xf32>
    tpu.vector_store %arg13[%swap3A_161], %swap3A_164 {strides = array<i32>} : memref<128xf32, #tpu.memory_space<vmem>>, vector<16xf32>,
    %get3A_165 = arith.constant 96 : index
    %get3A_166 = tpu.vector_load %arg10[%get3A_165] {strides = array<i32>} : memref<128xf32, #tpu.memory_space<vmem>>, vector<16xf32>,
    %get3A_167 = vector.shape_cast %get3A_166 : vector<16xf32> to vector<16xf32>
    %get3A_168 = arith.constant 96 : index
    %get3A_169 = tpu.vector_load %arg11[%get3A_168] {strides = array<i32>} : memref<128xf32, #tpu.memory_space<vmem>>, vector<16xf32>,
    %get3A_170 = vector.shape_cast %get3A_169 : vector<16xf32> to vector<16xf32>
    %add3A_171 = arith.addf %get3A_167, %get3A_170 : vector<16xf32>
    %add3A_172 = arith.addf %add3A_171, %gather3A_32 : vector<16xf32>
    %neg3A_173 = arith.constant 0.000000e+00 : f32
    %neg3A_174 = vector.broadcast %neg3A_173 : f32 to vector<16xf32>
    %neg3A_175 = arith.subf %neg3A_174, %add3A_172 : vector<16xf32>
    %exp3A_176 = math.exp %neg3A_175 : vector<16xf32>
    %add3A_177 = arith.constant 1.000000e+00 : f32
    %add3A_178 = vector.broadcast %add3A_177 : f32 to vector<16xf32>
    %add3A_179 = arith.addf %add3A_178, %exp3A_176 : vector<16xf32>
    %div3A_180 = arith.constant 1.000000e+00 : f32
    %div3A_181 = vector.broadcast %div3A_180 : f32 to vector<16xf32>
    %div3A_182 = arith.divf %div3A_181, %add3A_179 : vector<16xf32>
    %swap3A_183 = arith.constant 96 : index
    %swap3A_184 = tpu.vector_load %arg13[%swap3A_183] {strides = array<i32>} : memref<128xf32, #tpu.memory_space<vmem>>, vector<16xf32>,
    %swap3A_185 = vector.shape_cast %swap3A_184 : vector<16xf32> to vector<16xf32>
    %swap3A_186 = vector.shape_cast %div3A_182 : vector<16xf32> to vector<16xf32>
    tpu.vector_store %arg13[%swap3A_183], %swap3A_186 {strides = array<i32>} : memref<128xf32, #tpu.memory_space<vmem>>, vector<16xf32>,
    %get3A_187 = arith.constant 112 : index
    %get3A_188 = tpu.vector_load %arg10[%get3A_187] {strides = array<i32>} : memref<128xf32, #tpu.memory_space<vmem>>, vector<16xf32>,
    %get3A_189 = vector.shape_cast %get3A_188 : vector<16xf32> to vector<16xf32>
    %get3A_190 = arith.constant 112 : index
    %get3A_191 = tpu.vector_load %arg11[%get3A_190] {strides = array<i32>} : memref<128xf32, #tpu.memory_space<vmem>>, vector<16xf32>,
    %get3A_192 = vector.shape_cast %get3A_191 : vector<16xf32> to vector<16xf32>
    %add3A_193 = arith.addf %get3A_189, %get3A_192 : vector<16xf32>
    %add3A_194 = arith.addf %add3A_193, %gather3A_32 : vector<16xf32>
    %neg3A_195 = arith.constant 0.000000e+00 : f32
    %neg3A_196 = vector.broadcast %neg3A_195 : f32 to vector<16xf32>
    %neg3A_197 = arith.subf %neg3A_196, %add3A_194 : vector<16xf32>
    %exp3A_198 = math.exp %neg3A_197 : vector<16xf32>
    %add3A_199 = arith.constant 1.000000e+00 : f32
    %add3A_200 = vector.broadcast %add3A_199 : f32 to vector<16xf32>
    %add3A_201 = arith.addf %add3A_200, %exp3A_198 : vector<16xf32>
    %div3A_202 = arith.constant 1.000000e+00 : f32
    %div3A_203 = vector.broadcast %div3A_202 : f32 to vector<16xf32>
    %div3A_204 = arith.divf %div3A_203, %add3A_201 : vector<16xf32>
    %swap3A_205 = arith.constant 112 : index
    %swap3A_206 = tpu.vector_load %arg13[%swap3A_205] {strides = array<i32>} : memref<128xf32, #tpu.memory_space<vmem>>, vector<16xf32>,
    %swap3A_207 = vector.shape_cast %swap3A_206 : vector<16xf32> to vector<16xf32>
    %swap3A_208 = vector.shape_cast %div3A_204 : vector<16xf32> to vector<16xf32>
    tpu.vector_store %arg13[%swap3A_205], %swap3A_208 {strides = array<i32>} : memref<128xf32, #tpu.memory_space<vmem>>, vector<16xf32>,
    "tpu.region"() ({
      %run_scoped3A = tpu.sem_alloc : memref<!tpu.dma_semaphore, #tpu.memory_space<semaphore_mem>>
      %dma_start3A_209 = tpu.memref_slice %arg7[%mul3A_2] : memref<4096xf32, #tpu.memory_space<hbm>> -> memref<128xf32, #tpu.memory_space<hbm>>
      %dma_start3A_210 = tpu.memref_slice %arg7[%mul3A_2] : memref<4096xf32, #tpu.memory_space<hbm>> -> memref<128xf32, #tpu.memory_space<hbm>>
      tpu.enqueue_dma source(%arg13 : memref<128xf32, #tpu.memory_space<vmem>>) target(%dma_start3A_210 : memref<128xf32, #tpu.memory_space<hbm>>) target_semaphore(%run_scoped3A : memref<!tpu.dma_semaphore, #tpu.memory_space<semaphore_mem>>)
      %dma_wait3A_211 = tpu.memref_slice %arg7[%mul3A_2] : memref<4096xf32, #tpu.memory_space<hbm>> -> memref<128xf32, #tpu.memory_space<hbm>>
      %dma_wait3A_212 = tpu.memref_slice %arg7[%mul3A_2] : memref<4096xf32, #tpu.memory_space<hbm>> -> memref<128xf32, #tpu.memory_space<hbm>>
      tpu.wait_dma2 semaphore(%run_scoped3A : memref<!tpu.dma_semaphore, #tpu.memory_space<semaphore_mem>>) src(%arg13 : memref<128xf32, #tpu.memory_space<vmem>>) dst(%dma_wait3A_212 : memref<128xf32, #tpu.memory_space<hbm>>)
      tpu.yield
    }) : () -> ()
    return
  }
}

</mosaic_0001>

<sc_bundles>
// kernel: nfm_sc_bias_pred.3.cloned.1.call-start
scs
__scs_entry_jumppad:
0x0: {  	(pc) =	sbr.rel $0x88, $3  }
0x1: {  	(tag) =	ssettag $0x0;
	lr =	simm.s32 $0x1  }
0x2: {  	[smem:$0x3F9C] =	sst lr;
	_ =	strace $0xD0000000  }
0x3: {  	_ = 	snop  }
0x4: {  	_ = 	snop  }
0x5: {  	_ = 	snop  }
0x6: {  	_ = 	snop  }
0x7: {  	_ = 	snop  }
__scs_overlays_trampoline_lowered:
0x8: {  	[smem:$0x3FAB] =	sst s0  }
0x9: {  	[smem:$0x3FAC] =	sst s1  }
0xa: {  	[smem:$0x3FAD] =	sst s2  }
0xb: {  	[smem:$0x3FAE] =	sst s3  }
0xc: {  	[smem:$0x3FAF] =	sst s4  }
0xd: {  	[smem:$0x3FB0] =	sst s5  }
0xe: {  	[smem:$0x3FB1] =	sst s6  }
0xf: {  	[smem:$0x3FB2] =	sst s7  }
0x10: {  	[smem:$0x3FB3] =	sst s8  }
0x11: {  	[smem:$0x3FB4] =	sst s9;
	s0 =	simm.s32 @!p0 $0x0  }
0x12: {  	s1 =	sld [smem:$0x3F9A];
	s0 =	simm.s32 @p0 $0x1  }
0x13: {  	[smem:$0x3FB5] =	sst s0;
	s0 =	simm.s32 @!p1 $0x0  }
0x14: {  	s2 =	sld [smem:$0x3F99];
	s0 =	simm.s32 @p1 $0x1  }
0x15: {  	[smem:$0x3FB6] =	sst s0;
	s0 =	simm.s32 @!p2 $0x0  }
0x16: {  	s3 =	sld [smem:$0x3FDB];
	s0 =	simm.s32 @p2 $0x1  }
0x17: {  	s4 =	simm.s32 $0x1BF5;
	[smem:$0x3FB8] =	sst s0  }
0x18: {  	s0 =	sld [smem:$0x3F9B];
	_ =	swait.ge [sflag:s4], $0x0  }
0x19: {  	s7 =	sld [smem:$0x3F9C]  }
0x1a: {  	s8 =	sadd.s32 $0xFFFFE003, lr  }
0x1b: {  	s9 =	sadd.s32 $0xFFFFFEF7, lr;
	s5 =	simm.s32 $0xFFFFFFFF;
	p2 =	slt.u32 s8, $0xFFFFF086  }
0x1c: {  	p1 =	slt.u32 s9, $0xF7A;
	s5 =	simm.s32 @!p2 $0x0  }
0x1d: {  	s5 =	simm.s32 @p1 $0x1;
	p0 =	seq.s32 s7, s2  }
0x1e: {  	s7 =	smul.u32 @!p0 $0xF7A, s2;
	p2 =	seq.s32 @!p0 s5, $0x0  }
0x1f: {  	s9 =	smul.u32 $0xF7A, s1;
	s8 =	simm.s32 @!p0 $0x1BF5;
	p2 =	por !p2, p0  }
0x20: {  	[sflag:s8] =	ssyncset.s32 @!p0 $0xFFFFF086;
	s6 =	sadd.s32 @!p0 s3, s7;
	s7 =	simm.s32 @!p0 $0x108  }
0x21: {  	s3 =	sadd.s32 s3, s9;
	s6 =	sadd.s32 @!p0 $0x88, s6;
	s7 =	simm.s32 @p2 $0x1082  }
0x22: {  	[simem:s7], [sflag:s8] =	dma.local @!p0 [hbm:s6], $0xF7A  }
0x23: {  	s9 =	sor.u32 $0xD0000000, s2;
	s6 =	simm.s32 $0x108;
	_ =	swait.ge @!p0 [sflag:s8], $0x0  }
0x24: {  	s3 =	sadd.s32 $0x88, s3;
	s6 =	simm.s32 @!p1 $0x1082;
	[sflag:s4] =	ssyncset.s32 $0xFFFFF086  }
0x25: {  	[simem:s6], [sflag:s4] =	dma.local [hbm:s3], $0xF7A  }
0x26: {  	[smem:$0x3F9C] =	sst s1;
	(tag) =	ssettag s2;
	_ =	strace s9  }
0x27: {  	s1 =	sld [smem:$0x3FAC]  }
0x28: {  	s2 =	sld [smem:$0x3FAD]  }
0x29: {  	s4 =	sld [smem:$0x3FAF]  }
0x2a: {  	p0 =	seq.s32 s5, $0x0;
	s5 =	sld [smem:$0x3FB0]  }
0x2b: {  	s6 =	sld [smem:$0x3FB1]  }
0x2c: {  	s7 =	sld [smem:$0x3FB2]  }
0x2d: {  	s3 =	simm.s32 $0x108;
	s8 =	sld [smem:$0x3FB3]  }
0x2e: {  	s3 =	simm.s32 @!p0 $0x1082;
	s9 =	sld [smem:$0x3FB4]  }
0x2f: {  	lr =	sadd.s32 s0, s3;
	s0 =	sld [smem:$0x3FAB]  }
0x30: {  	s3 =	sld [smem:$0x3FAE]  }
0x31: {  	[smem:$0x3FB7] =	sst s10  }
0x32: {  	s10 =	sld [smem:$0x3FB5];
	_ =	sdelay $0x3  }
0x33: {  	p0 =	seq.s32 s10, $0x1;
	s10 =	sld [smem:$0x3FB7];
	_ =	sdelay $0x3  }
0x34: {  	[smem:$0x3FB7] =	sst s10  }
0x35: {  	s10 =	sld [smem:$0x3FB6];
	_ =	sdelay $0x3  }
0x36: {  	p1 =	seq.s32 s10, $0x1;
	s10 =	sld [smem:$0x3FB7];
	_ =	sdelay $0x3  }
0x37: {  	[smem:$0x3FB7] =	sst s10  }
0x38: {  	s10 =	sld [smem:$0x3FB8]  }
0x39: {  	_ = 	snop;
	(pc) =	sbr.ind lr, $3  }
0x3a: {  	_ = 	snop  }
0x3b: {  	_ = 	snop  }
0x3c: {  	p2 =	seq.s32 s10, $0x1;
	s10 =	sld [smem:$0x3FB7]  }
0x3d: {  	_ =	shalt  }
0x3e: {  	_ =	shalt  }
0x3f: {  	_ =	shalt  }
0x40: {  	_ =	shalt  }
0x41: {  	_ =	shalt  }
0x42: {  	_ =	shalt  }
0x43: {  	_ =	shalt  }
0x44: {  	_ =	shalt  }
0x45: {  	_ =	shalt  }
0x46: {  	_ =	shalt  }
0x47: {  	_ =	shalt  }
0x48: {  	_ =	shalt  }
0x49: {  	_ =	shalt  }
0x4a: {  	_ =	shalt  }
0x4b: {  	_ =	shalt  }
0x4c: {  	_ =	shalt  }
0x4d: {  	_ =	shalt  }
0x4e: {  	_ =	shalt  }
0x4f: {  	_ =	shalt  }
0x50: {  	_ =	shalt  }
0x51: {  	_ =	shalt  }
0x52: {  	_ =	shalt  }
0x53: {  	_ =	shalt  }
0x54: {  	_ =	shalt  }
0x55: {  	_ =	shalt  }
0x56: {  	_ =	shalt  }
0x57: {  	_ =	shalt  }
0x58: {  	_ =	shalt  }
0x59: {  	_ =	shalt  }
0x5a: {  	_ =	shalt  }
0x5b: {  	_ =	shalt  }
0x5c: {  	_ =	shalt  }
0x5d: {  	_ =	shalt  }
0x5e: {  	_ =	shalt  }
0x5f: {  	_ =	shalt  }
0x60: {  	_ =	shalt  }
0x61: {  	_ =	shalt  }
0x62: {  	_ =	shalt  }
0x63: {  	_ =	shalt  }
0x64: {  	_ =	shalt  }
0x65: {  	_ =	shalt  }
0x66: {  	_ =	shalt  }
0x67: {  	_ =	shalt  }
0x68: {  	_ =	shalt  }
0x69: {  	_ =	shalt  }
0x6a: {  	_ =	shalt  }
0x6b: {  	_ =	shalt  }
0x6c: {  	_ =	shalt  }
0x6d: {  	_ =	shalt  }
0x6e: {  	_ =	shalt  }
0x6f: {  	_ =	shalt  }
0x70: {  	_ =	shalt  }
0x71: {  	_ =	shalt  }
0x72: {  	_ =	shalt  }
0x73: {  	_ =	shalt  }
0x74: {  	_ =	shalt  }
0x75: {  	_ =	shalt  }
0x76: {  	_ =	shalt  }
0x77: {  	_ =	shalt  }
0x78: {  	_ =	shalt  }
0x79: {  	_ =	shalt  }
0x7a: {  	_ =	shalt  }
0x7b: {  	_ =	shalt  }
0x7c: {  	_ =	shalt  }
0x7d: {  	_ =	shalt  }
0x7e: {  	_ =	shalt  }
0x7f: {  	_ =	shalt  }
0x80: {  	_ =	shalt  }
0x81: {  	_ =	shalt  }
0x82: {  	_ =	shalt  }
0x83: {  	_ =	shalt  }
0x84: {  	_ =	shalt  }
0x85: {  	_ =	shalt  }
0x86: {  	_ =	shalt  }
0x87: {  	_ =	shalt  }
.Lfunc_end0:
.L_simem_size_0:
called_computation_lowered:
.L_overlay_start_0:
0x88: {  	s2 =	sld [smem:$0x3FD9]  }
0x89: {  	s3 =	sld [smem:$0x3FFE];
	_ =	sdelay $0x1  }
0x8a: {  	s1 =	srdreg.scid  }
0x8b: {  	s0 =	sand.u32 $0x1, s1  }
0x8c: {  	s18 =	sshll.u32 s0, $0xA;
	s2 =	sadd.s32 s3, s2  }
0x8d: {  	s2 =	sadd.s32 s2, s18  }
0x8e: {  	[smem:$0x3FC3] =	sst s2  }
0x8f: {  	_ = 	snop  }
0x90: {  	s2 =	sld [smem:$0x3FC9]  }
0x91: {  	s19 =	sld [smem:$0x3FC8]  }
0x92: {  	s4 =	sld [smem:$0x3FC7]  }
0x93: {  	s5 =	sld [smem:$0x3FC6]  }
0x94: {  	s6 =	sld [smem:$0x3FC5]  }
0x95: {  	s7 =	sld [smem:$0x3FD0];
	(tm) =	ssettm $0x1  }
0x96: {  	s8 =	sld [smem:$0x3FFB];
	_ =	sdelay $0x3  }
0x97: {  	_ =	strace s8  }
0x98: {  	s8 =	sld [smem:$0x3FFC];
	_ =	sdelay $0x3  }
0x99: {  	_ =	strace s8  }
0x9a: {  	s8 =	sld [smem:$0x3FFD];
	_ =	sdelay $0x3  }
0x9b: {  	_ =	strace s8  }
0x9c: {  	_ =	strace $0x8FFFFFFF  }
0x9d: {  	s20 =	sld [smem:$0x3FDB];
	_ =	sdelay $0x1  }
0x9e: {  	s9 =	simm.s32 $_scs_section_size  }
0x9f: {  	s10 =	simm.s32 $_size__tile_overlayer_lowered;
	s11 =	simm.s32 $_tile_overlayer_lowered  }
0xa0: {  	s23 =	simm.s32 $0x1BFF;
	s22 =	sshll.u32 s11, $0x1;
	s8 =	sadd.s32 s9, s20  }
0xa1: {  	s12 =	simm.s32 $0x0;
	s21 =	sshll.u32 s10, $0x1;
	s10 =	sadd.s32 s22, s8  }
0xa2: {  	[timem:s12], [sflag:s23] =	dma.local [hbm:s10], s21  }
0xa3: {  	_ =	swait.ge [sflag:s23], s21  }
0xa4: {  	s9 =	ssub.s32 $0x0, s21;
	[sflag:s23] =	ssyncset.done $0x0  }
0xa5: {  	[sflag:s23] =	ssyncadd.s32 s9;
	_ =	sdelay $0x1  }
0xa6: {  	s24 =	simm.s32 $0x1B8B  }
0xa7: {  	_ =	swait.ge [sflag:s24], $0x1  }
0xa8: {  	[sflag:s24] =	ssyncset.done $0x0  }
0xa9: {  	s25 =	simm.s32 $0x1B8E;
	[sflag:s24] =	ssyncadd.s32 $0xFFFFFFFF  }
0xaa: {  	s26 =	simm.s32 $execute0_lowered;
	[smem:$0x3FD2] =	sst s25  }
0xab: {  	s9 =	sshll.u32 s26, $0x1;
	_ =	strace $0x80000046;
	[dreg:$0x1] =	wrdreg $0xFFFFFFFF  }
0xac: {  	s28 =	simm.s32 $_size_execute0_lowered;
	s8 =	sadd.s32 s8, s9;
	[dreg:$0x0] =	wrdreg $0x0  }
0xad: {  	s9 =	sshll.u32 s28, $0x1;
	[dreg:$0x2] =	wrdreg s8  }
0xae: {  	[dreg:$0x3] =	wrdreg s9  }
0xaf: {  	[dreg:$0x4] =	wrdreg $0xC0  }
0xb0: {  	_ =	task [dreg:s12], $0x5FFFF  }
0xb1: {  	[dreg:$0x1] =	wrdreg $0xFFFFFFFF  }
0xb2: {  	[dreg:$0x0] =	wrdreg $0x60  }
0xb3: {  	[dreg:$0x2] =	wrdreg s2  }
0xb4: {  	[dreg:$0x3] =	wrdreg s19  }
0xb5: {  	[dreg:$0x4] =	wrdreg s4  }
0xb6: {  	[dreg:$0x5] =	wrdreg s5  }
0xb7: {  	[dreg:$0x6] =	wrdreg s6  }
0xb8: {  	[dreg:$0x7] =	wrdreg s7  }
0xb9: {  	[dreg:$0x8] =	wrdreg $0x9  }
0xba: {  	_ =	task.clear_ibuf [dreg:s12], $0x9FFFF;
	_ =	strace $0x90000046  }
0xbb: {  	s29 =	simm.s32 $0x9;
	_ =	strace $0x80000048  }
0xbc: {  	_ =	swait.ge [sflag:s29], $0x1  }
0xbd: {  	[sflag:s29] =	ssyncadd.s32 $0xFFFFFFFF  }
0xbe: {  	_ =	strace $0x90000048  }
0xbf: {  	_ =	sfence  }
0xc0: {  	s30 =	sld [smem:$0x0];
	_ =	sdelay $0x2  }
0xc1: {  	s31 =	sshll.u32 s1, $0xD;
	s1 =	sshrl.u32 s1, $0x2  }
0xc2: {  	s3 =	sand.u32 $0x4000, s31;
	s1 =	sadd.s32 s1, s30  }
0xc3: {  	s0 =	sor.u32 s3, s0;
	s1 =	sshll.u32 s1, $0x11  }
0xc4: {  	s0 =	sor.u32 s1, s0  }
0xc5: {  	s0 =	sadd.s32 $0x8F2B, s0  }
0xc6: {  	[sflag:s0] =	ssyncadd.remote.s32 $0x1  }
0xc7: {  	_ =	sfence.sel $0xFFFF  }
0xc8: {  	[dreg:$0x0] =	wrdreg $0xFFFFFFFF;
	(pc) =	sbr.abs _section_cstart, $3  }
0xc9: {  	[dreg:$0x1] =	wrdreg $0xFFFFFFFF  }
0xca: {  	_ =	task.clear_ibuf [dreg:s12], $0x2FFFF;
	_ =	strace $0x9FFFFFFF  }
0xcb: {  	(tm) =	ssettm $0x7FFFFFFF  }
tec
execute0_lowered:
.L_overlay_start_1:
0x0: {  	(tag) =	ssettag $0x1  }
0x1: {  	s6 =	rddreg [dreg:$0x0]  }
0x2: {  	s7 =	rddreg [dreg:$0x1]  }
0x3: {  	s3 =	rddreg [dreg:$0x2]  }
0x4: {  	s4 =	rddreg [dreg:$0x3]  }
0x5: {  	s5 =	rddreg [dreg:$0x4];
	s2 =	srdreg.scid  }
0x6: {  	s15 =	rddreg [dreg:$0x5];
	s1 =	stileid.u32;
	s17 =	sand.u32 $0x1, s2  }
0x7: {  	s2 =	simm.s32 $0x0;
	s8 =	sshll.u32 s1, $0x5;
	s9 =	sshll.u32 s17, $0x4  }
0x8: {  	[smem:$0x7FF] =	sst s2;
	s16 =	sor.u32 s9, s8  }
0x9: {  	s0 =	rddreg [dreg:$0x6];
	_ =	strace $0x80000047;
	s6 =	sadd.s32 s6, s16  }
0xa: {  	[tilespmem:s2], [sflag:$0x1] =	stream.linear.gather [hbm4b:s6+s2], $0x80, $0x38;
	[tilespmem:$0x300] =	vst v63  }
0xb: {  	s8 =	simm.s32 $0x80;
	s7 =	sadd.s32 s7, s16  }
0xc: {  	[tilespmem:s8], [sflag:$0x1] =	stream.linear.gather [hbm4b:s7+s2], $0x80, $0x38;
	[tilespmem:$0x300] =	vst v63  }
0xd: {  	s10 =	simm.s32 $0x1;
	s9 =	simm.s32 $0x200  }
0xe: {  	[tilespmem:s9], [sflag:$0x3] =	stream.linear.gather [hbm4b:s5+s2], $0x1, $0x38;
	[tilespmem:$0x300] =	vst v63  }
0xf: {  	_ =	swait.ge [sflag:s10], $0x80  }
0x10: {  	[sflag:s10] =	ssyncset.done $0x0  }
0x11: {  	s11 =	simm.s32 $0x100;
	[sflag:s10] =	ssyncadd.s32 $0xFFFFFF80  }
0x12: {  	[tilespmem:s11], [sflag:$0x2] =	stream.indirect.gather [hbm4b:s3+s8], $0x1, s2, s8, $0xb8;
	[tilespmem:$0x300] =	vst v63  }
0x13: {  	_ =	swait.ge [sflag:s10], $0x80  }
0x14: {  	[sflag:s10] =	ssyncset.done $0x0  }
0x15: {  	s12 =	simm.s32 $0x180;
	s13 =	simm.s32 $0x3;
	[sflag:s10] =	ssyncadd.s32 $0xFFFFFF80  }
0x16: {  	[tilespmem:s12], [sflag:$0x2] =	stream.indirect.gather [hbm4b:s4+s8], $0x1, s8, s8, $0xb8;
	[tilespmem:$0x300] =	vst v63  }
0x17: {  	_ =	swait.ge [sflag:s13], $0x1  }
0x18: {  	[sflag:s13] =	ssyncset.done $0x0  }
0x19: {  	s14 =	simm.s32 $0x2;
	[sflag:s13] =	ssyncadd.s32 $0xFFFFFFFF  }
0x1a: {  	v1 =	vld [tilespmem:$0x200];
	_ =	swait.ge [sflag:s14], $0x80  }
0x1b: {  	[sflag:s14] =	ssyncset.done $0x0  }
0x1c: {  	[sflag:s14] =	ssyncadd.s32 $0xFFFFFF80  }
0x1d: {  	_ =	swait.ge [sflag:s14], $0x80  }
0x1e: {  	[sflag:s14] =	ssyncset.done $0x0  }
0x1f: {  	[sflag:s14] =	ssyncadd.s32 $0xFFFFFF80  }
0x20: {  	v2 =	vld [tilespmem:$0x170]  }
0x21: {  	v3 =	vld [tilespmem:$0x1F0]  }
0x22: {  	v4 =	vld [tilespmem:$0x1E0]  }
0x23: {  	v5 =	vld [tilespmem:$0x1D0]  }
0x24: {  	v6 =	vld [tilespmem:$0x160]  }
0x25: {  	v7 =	vld [tilespmem:$0x150]  }
0x26: {  	v8 =	vld [tilespmem:$0x1B0]  }
0x27: {  	v9 =	vld [tilespmem:$0x130]  }
0x28: {  	v10 =	vld [tilespmem:$0x100]  }
0x29: {  	v11 =	vld [tilespmem:$0x180]  }
0x2a: {  	v12 =	vld [tilespmem:$0x110]  }
0x2b: {  	v0 =	vimm.s32 $0x0;
	v13 =	vld [tilespmem:$0x190]  }
0x2c: {  	v1 =	vperm.xlane v1, v0;
	v5 =	vadd.f32 v5, v7  }
0x2d: {  	v60 =	vld [tilespmem:$0x120];
	v8 =	vadd.f32 v8, v9  }
0x2e: {  	v7 =	vld [tilespmem:$0x1A0];
	v4 =	vadd.f32 v4, v6;
	v5 =	vadd.f32 v5, v1  }
0x2f: {  	v6 =	vadd.f32 v11, v10;
	v2 =	vadd.f32 v3, v2  }
0x30: {  	v62 =	vld [tilespmem:$0x1C0];
	v61 =	vadd.f32 v13, v12;
	v5 =	vsub.f32 $0.0e+00, v5  }
0x31: {  	s17 =	ssub.s32 $0x2, s17;
	v3 =	vld [tilespmem:$0x140];
	v8 =	vadd.f32 v8, v1;
	v4 =	vadd.f32 v4, v1  }
0x32: {  	s18 =	sshrl.u32 s17, $0x1;
	v6 =	vadd.f32 v6, v1;
	v2 =	vadd.f32 v2, v1;
	v5 =	vmul.f32 $1.442695020e+00, v5  }
0x33: {  	s17 =	ssub.s32 s17, s18;
	v4 =	vsub.f32 $0.0e+00, v4;
	v7 =	vadd.f32 v7, v60  }
0x34: {  	s18 =	smax.u32 s17, $0x1;
	v8 =	vsub.f32 $0.0e+00, v8;
	v6 =	vsub.f32 $0.0e+00, v6;
	(erf) = vpow2.f32 v5  }
0x35: {  	p0 =	sne.s32 s18, $0x1;
	v2 =	vsub.f32 $0.0e+00, v2;
	v4 =	vmul.f32 $1.442695020e+00, v4;
	v7 =	vadd.f32 v7, v1  }
.Ltmp0:
0x36: {  	v3 =	vadd.f32 v62, v3;
	v8 =	vmul.f32 $1.442695020e+00, v8;
	v5 =	vadd.f32 v61, v1;
	(pc) =	sbr.rel @!p0 .LBB2_2-.Ltmp0, $4  }
0x37: {  	v63 =	vmul.f32 $1.442695020e+00, v2;
	v7 =	vsub.f32 $0.0e+00, v7;
	(erf) = vpow2.f32 v4  }
0x38: {  	v4 =	vadd.f32 v3, v1;
	v5 =	vsub.f32 $0.0e+00, v5;
	(erf) = vpow2.f32 v8  }
0x39: {  	s15 =	sadd.s32 s15, s16;
	v1 =	vmul.f32 $1.442695020e+00, v6;
	v2 =	vmul.f32 $1.442695020e+00, v7  }
0x3a: {  	s16 =	simm.s32 $0x4;
	s17 =	simm.s32 $0x280;
	s18 =	sadd.s32 $0xFFFFFFFF, s18;
	v4 =	vsub.f32 $0.0e+00, v4;
	(erf) = vpow2.f32 v63;
	v3 =	vmul.f32 $1.442695020e+00, v5  }
.LBB2_1:
0x3b: {  	p0 =	sne.s32 s18, $0x1;
	s18 =	sadd.s32 $0xFFFFFFFF, s18;
	(erf) = vpow2.f32 v2  }
0x3c: {  	v2 =	vmul.f32 $1.442695020e+00, v4;
	(erf) = vpow2.f32 v3  }
0x3d: {  	(erf) = vpow2.f32 v1;
	v1 =	vpop (erf)  }
0x3e: {  	v3 =	vadd.f32 $1.000000000e+00, v1;
	(erf) = vpow2.f32 v2;
	_ =	sdelay $0x1  }
0x3f: {  	(erf) = vrcp.f32 v3;
	v1 =	vpop (erf)  }
0x40: {  	v4 =	vadd.f32 $1.000000000e+00, v1;
	v2 =	vpop (erf)  }
0x41: {  	v2 =	vadd.f32 $1.000000000e+00, v2  }
0x42: {  	(erf) = vrcp.f32 v4;
	v1 =	vpop (erf)  }
0x43: {  	v1 =	vadd.f32 $1.000000000e+00, v1;
	v3 =	vpop (erf);
	(erf) = vrcp.f32 v2  }
0x44: {  	v5 =	vadd.f32 $1.000000000e+00, v3;
	v3 =	vpop (erf)  }
0x45: {  	v3 =	vadd.f32 $1.000000000e+00, v3;
	v4 =	vpop (erf);
	(erf) = vrcp.f32 v1  }
0x46: {  	v4 =	vadd.f32 $1.000000000e+00, v4;
	(erf) = vrcp.f32 v5;
	v2 =	vpop (erf)  }
0x47: {  	v2 =	vadd.f32 $1.000000000e+00, v2;
	(erf) = vrcp.f32 v3  }
0x48: {  	(erf) = vrcp.f32 v4;
	v1 =	vpop (erf)  }
0x49: {  	[tilespmem:$0x2D0] =	vst v1;
	(erf) = vrcp.f32 v2;
	_ =	sdelay $0x1  }
0x4a: {  	v1 =	vpop (erf)  }
0x4b: {  	[tilespmem:$0x2E0] =	vst v1;
	v1 =	vpop (erf)  }
0x4c: {  	[tilespmem:$0x2B0] =	vst v1  }
0x4d: {  	v1 =	vpop (erf)  }
0x4e: {  	[tilespmem:$0x2F0] =	vst v1;
	v1 =	vpop (erf)  }
0x4f: {  	[tilespmem:$0x2A0] =	vst v1;
	v1 =	vpop (erf)  }
0x50: {  	[tilespmem:$0x290] =	vst v1;
	v1 =	vpop (erf)  }
0x51: {  	[tilespmem:$0x280] =	vst v1;
	v1 =	vpop (erf)  }
0x52: {  	[tilespmem:$0x2C0] =	vst v1  }
0x53: {  	[hbm4b:s15+s2] =	stream.linear.scatter [tilespmem:s17], [sflag:$0x4], $0x80, $0x38;
	[tilespmem:$0x300] =	vst v63  }
0x54: {  	_ =	swait.ge [sflag:s16], $0x80  }
0x55: {  	[sflag:s16] =	ssyncset.done $0x0  }
0x56: {  	[sflag:s16] =	ssyncadd.s32 $0xFFFFFF80;
	_ =	sdelay $0x1  }
0x57: {  	[tilespmem:s2], [sflag:$0x1] =	stream.linear.gather [hbm4b:s6+s2], $0x80, $0x38;
	[tilespmem:$0x300] =	vst v63  }
0x58: {  	_ = 	snop  }
0x59: {  	[tilespmem:s8], [sflag:$0x1] =	stream.linear.gather [hbm4b:s7+s2], $0x80, $0x38;
	[tilespmem:$0x300] =	vst v63  }
0x5a: {  	_ = 	snop  }
0x5b: {  	[tilespmem:s9], [sflag:$0x3] =	stream.linear.gather [hbm4b:s5+s2], $0x1, $0x38;
	[tilespmem:$0x300] =	vst v63  }
0x5c: {  	_ =	swait.ge [sflag:s10], $0x80  }
0x5d: {  	[sflag:s10] =	ssyncset.done $0x0  }
0x5e: {  	[sflag:s10] =	ssyncadd.s32 $0xFFFFFF80  }
0x5f: {  	[tilespmem:s11], [sflag:$0x2] =	stream.indirect.gather [hbm4b:s3+s8], $0x1, s2, s8, $0xb8;
	[tilespmem:$0x300] =	vst v63  }
0x60: {  	_ =	swait.ge [sflag:s10], $0x80  }
0x61: {  	[sflag:s10] =	ssyncset.done $0x0  }
0x62: {  	[sflag:s10] =	ssyncadd.s32 $0xFFFFFF80  }
0x63: {  	[tilespmem:s12], [sflag:$0x2] =	stream.indirect.gather [hbm4b:s4+s8], $0x1, s8, s8, $0xb8;
	[tilespmem:$0x300] =	vst v63  }
0x64: {  	_ =	swait.ge [sflag:s13], $0x1  }
0x65: {  	[sflag:s13] =	ssyncset.done $0x0  }
0x66: {  	[sflag:s13] =	ssyncadd.s32 $0xFFFFFFFF  }
0x67: {  	v1 =	vld [tilespmem:$0x200]  }
0x68: {  	_ =	swait.ge [sflag:s14], $0x80  }
0x69: {  	[sflag:s14] =	ssyncset.done $0x0  }
0x6a: {  	[sflag:s14] =	ssyncadd.s32 $0xFFFFFF80  }
0x6b: {  	_ =	swait.ge [sflag:s14], $0x80  }
0x6c: {  	[sflag:s14] =	ssyncset.done $0x0  }
0x6d: {  	[sflag:s14] =	ssyncadd.s32 $0xFFFFFF80  }
0x6e: {  	v2 =	vld [tilespmem:$0x170]  }
0x6f: {  	v3 =	vld [tilespmem:$0x1F0]  }
0x70: {  	v4 =	vld [tilespmem:$0x1E0]  }
0x71: {  	v5 =	vld [tilespmem:$0x1D0]  }
0x72: {  	v6 =	vld [tilespmem:$0x160]  }
0x73: {  	v7 =	vld [tilespmem:$0x150]  }
0x74: {  	v8 =	vld [tilespmem:$0x1B0]  }
0x75: {  	v9 =	vld [tilespmem:$0x130]  }
0x76: {  	v10 =	vld [tilespmem:$0x100]  }
0x77: {  	v11 =	vld [tilespmem:$0x180]  }
0x78: {  	v12 =	vld [tilespmem:$0x110]  }
0x79: {  	v1 =	vperm.xlane v1, v0;
	v5 =	vadd.f32 v5, v7;
	v13 =	vld [tilespmem:$0x190]  }
0x7a: {  	v7 =	vld [tilespmem:$0x1A0];
	v8 =	vadd.f32 v8, v9  }
0x7b: {  	v4 =	vadd.f32 v4, v6;
	v5 =	vadd.f32 v5, v1;
	v9 =	vld [tilespmem:$0x120]  }
0x7c: {  	v2 =	vadd.f32 v3, v2;
	v6 =	vadd.f32 v11, v10;
	v10 =	vld [tilespmem:$0x140]  }
0x7d: {  	v3 =	vadd.f32 v8, v1;
	v5 =	vsub.f32 $0.0e+00, v5  }
0x7e: {  	v4 =	vadd.f32 v4, v1;
	v8 =	vadd.f32 v13, v12;
	v11 =	vld [tilespmem:$0x1C0]  }
0x7f: {  	v6 =	vadd.f32 v6, v1;
	v3 =	vsub.f32 $0.0e+00, v3;
	v5 =	vmul.f32 $1.442695020e+00, v5  }
0x80: {  	v4 =	vsub.f32 $0.0e+00, v4;
	v7 =	vadd.f32 v7, v9  }
0x81: {  	v2 =	vadd.f32 v2, v1;
	v6 =	vsub.f32 $0.0e+00, v6;
	(erf) = vpow2.f32 v5  }
0x82: {  	v4 =	vmul.f32 $1.442695020e+00, v4;
	v5 =	vadd.f32 v8, v1;
	v7 =	vadd.f32 v7, v1  }
.Ltmp1:
0x83: {  	v2 =	vsub.f32 $0.0e+00, v2;
	v3 =	vmul.f32 $1.442695020e+00, v3;
	v8 =	vadd.f32 v11, v10;
	(pc) =	sbr.rel @p0 .LBB2_1-.Ltmp1, $4  }
0x84: {  	v5 =	vsub.f32 $0.0e+00, v5;
	v7 =	vsub.f32 $0.0e+00, v7;
	(erf) = vpow2.f32 v4  }
0x85: {  	v4 =	vadd.f32 v8, v1;
	v8 =	vmul.f32 $1.442695020e+00, v2;
	(erf) = vpow2.f32 v3  }
0x86: {  	v1 =	vmul.f32 $1.442695020e+00, v6;
	v2 =	vmul.f32 $1.442695020e+00, v7  }
0x87: {  	v3 =	vmul.f32 $1.442695020e+00, v5;
	v4 =	vsub.f32 $0.0e+00, v4;
	(erf) = vpow2.f32 v8  }
.LBB2_2:
0x88: {  	(erf) = vpow2.f32 v2  }
0x89: {  	v0 =	vmul.f32 $1.442695020e+00, v4;
	(erf) = vpow2.f32 v3  }
0x8a: {  	(erf) = vpow2.f32 v1  }
0x8b: {  	(erf) = vpow2.f32 v0;
	_ =	sdelay $0x1  }
0x8c: {  	v44 =	vpop (erf)  }
0x8d: {  	v0 =	vadd.f32 $1.000000000e+00, v44;
	v45 =	vpop (erf)  }
0x8e: {  	v1 =	vadd.f32 $1.000000000e+00, v45;
	v46 =	vpop (erf)  }
0x8f: {  	(erf) = vrcp.f32 v0;
	v47 =	vadd.f32 $1.000000000e+00, v46;
	v48 =	vpop (erf)  }
0x90: {  	(erf) = vrcp.f32 v1;
	v49 =	vadd.f32 $1.000000000e+00, v48;
	v50 =	vpop (erf)  }
0x91: {  	(erf) = vrcp.f32 v47;
	v51 =	vadd.f32 $1.000000000e+00, v50;
	v52 =	vpop (erf)  }
0x92: {  	v2 =	vadd.f32 $1.000000000e+00, v52;
	v53 =	vpop (erf);
	(erf) = vrcp.f32 v49  }
0x93: {  	v54 =	vadd.f32 $1.000000000e+00, v53;
	(erf) = vrcp.f32 v51;
	v55 =	vpop (erf)  }
0x94: {  	v0 =	vadd.f32 $1.000000000e+00, v55;
	(erf) = vrcp.f32 v2  }
0x95: {  	(erf) = vrcp.f32 v54  }
0x96: {  	(erf) = vrcp.f32 v0;
	_ =	sdelay $0x1  }
0x97: {  	v56 =	vpop (erf)  }
0x98: {  	[tilespmem:$0x2D0] =	vst v56;
	v57 =	vpop (erf)  }
0x99: {  	[tilespmem:$0x2E0] =	vst v57;
	v58 =	vpop (erf)  }
0x9a: {  	[tilespmem:$0x2B0] =	vst v58;
	v59 =	vpop (erf)  }
0x9b: {  	[tilespmem:$0x2F0] =	vst v59;
	v60 =	vpop (erf)  }
0x9c: {  	[tilespmem:$0x2A0] =	vst v60;
	v61 =	vpop (erf)  }
0x9d: {  	[tilespmem:$0x290] =	vst v61;
	v62 =	vpop (erf)  }
0x9e: {  	[tilespmem:$0x280] =	vst v62;
	v63 =	vpop (erf)  }
0x9f: {  	[tilespmem:$0x2C0] =	vst v63  }
0xa0: {  	[hbm4b:s15+s2] =	stream.linear.scatter [tilespmem:s17], [sflag:$0x4], $0x80, $0x38;
	[tilespmem:$0x300] =	vst v63  }
0xa1: {  	_ =	swait.ge [sflag:s16], $0x80  }
0xa2: {  	[sflag:s16] =	ssyncset.done $0x0  }
0xa3: {  	[sflag:s16] =	ssyncadd.s32 $0xFFFFFF80  }
0xa4: {  	_ =	sfence.sel $0x180000  }
0xa5: {  	[bflag:$0x0] =	sbarrier.arrive $0xFFFF  }
0xa6: {  	p0 =	sne.s32 s1, $0x0;
	_ =	strace $0x90000047  }
0xa7: {  	s0 =	sadd.s32 @!p0 $0x100000, s0;
	[bflag:$0x2] =	sbarrier.arrive $0xFFFF  }
0xa8: {  	[sflag:s0] =	ssyncadd.tile.s32 @!p0 $0x1;
	_ =	shalt  }
.Lfunc_end2:
_tile_overlayer_lowered:
.L_overlay_start_2:
0xa9: {  	(tag) =	ssettag $0x2  }
0xaa: {  	s0 =	rddreg [dreg:$0x0];
	s2 =	stileid.u32  }
0xab: {  	s1 =	rddreg [dreg:$0x1];
	p0 =	sne.s32 s2, $0x0  }
0xac: {  	s3 =	rddreg [dreg:$0x2];
	[bflag:$0x3] =	sbarrier.arrive $0xFFFF;
	s2 =	simm.s32 @!p0 $0x1C04  }
0xad: {  	[timem:s3], [sflag:s2] =	dma.local @!p0 [hbm:s0], s1  }
0xae: {  	s0 =	simm.s32 @!p0 $0x4  }
0xaf: {  	_ =	swait.ge @!p0 [sflag:s0], s1  }
0xb0: {  	s1 =	ssub.s32 @!p0 $0x0, s1;
	[sflag:s0] =	ssyncset.done @!p0 $0x0  }
0xb1: {  	[sflag:s0] =	ssyncadd.s32 @!p0 s1  }
0xb2: {  	[bflag:$0x3] =	sbarrier.arrive $0xFFFF  }
0xb3: {  	_ =	shalt  }

</sc_bundles>
